<compile_context>
chip_gen: v7x
topology: tpu7x:2x2x1
jax: 0.10.2.dev20260603
libtpu: 0.0.44.dev20260713+nightly
codegen_flags: <defaults>
</compile_context>

<pallas_src>
import functools

import jax
import jax.numpy as jnp
from jax import lax
from jax.experimental import pallas as pl
from jax.experimental.pallas import tpu as pltpu
from jax.experimental.pallas import tpu_sc as plsc

B = 32
C_ENC = 768
H = 14
W_SP = 14
HW = H * W_SP
N_PIX = B * HW
D = 32
K = 16384
EPS = 1e-12
NW = 32
ROWS_PER_W = 200
N_PAD = NW * ROWS_PER_W


def _proj_body(z_ref, w_ref, b_ref, cb_ref, zn_ref, cbp_ref):
    zb = z_ref[0]
    w = w_ref[...]
    z = lax.dot_general(zb.astype(jnp.bfloat16), w.astype(jnp.bfloat16),
                        (((0,), (1,)), ((), ())),
                        preferred_element_type=jnp.float32)
    z = z + b_ref[...]
    n = jnp.sqrt(jnp.sum(z * z, axis=1, keepdims=True))
    zn_ref[0] = z / (n + EPS)

    @pl.when(pl.program_id(0) == 0)
    def _():
        cb = cb_ref[...]
        cn = jnp.sqrt(jnp.sum(cb * cb, axis=1, keepdims=True))
        cbp_ref[:, :D] = cb / (cn + EPS)
        cbp_ref[:, D:] = jnp.zeros((K, 128 - D), jnp.float32)


def _loss_body(q_ref, zn_ref, qt_ref, loss_ref):
    b = pl.program_id(0)
    q = q_ref[0]
    zn = zn_ref[0]
    d = zn - q
    s = jnp.sum(d * d).reshape(1, 1)
    cur = jnp.where(b == 0, s, loss_ref[...] + s)
    cur = jnp.where(b == B - 1, cur * (1.0 / (N_PIX * D)), cur)
    loss_ref[...] = cur
    qt_ref[0] = q.T


def _sc_gather_body(cb_hbm, idx_hbm, out_hbm, idx_v, rows_v, sem):
    wid = lax.axis_index("s") * 2 + lax.axis_index("c")
    base = wid * ROWS_PER_W
    pltpu.sync_copy(idx_hbm.at[pl.ds(base, ROWS_PER_W)], idx_v)
    for off, ln in ((0, 128), (128, ROWS_PER_W - 128)):
        pltpu.async_copy(
            cb_hbm.at[idx_v.at[pl.ds(off, ln)]],
            rows_v.at[pl.ds(off, ln)], sem).wait()
    pltpu.sync_copy(rows_v, out_hbm.at[pl.ds(base, ROWS_PER_W)])


@functools.cache
def _make_sc_gather():
    mesh = plsc.VectorSubcoreMesh(core_axis_name="c", subcore_axis_name="s")
    return pl.kernel(
        _sc_gather_body,
        mesh=mesh,
        out_type=jax.ShapeDtypeStruct((N_PAD, 128), jnp.float32),
        scratch_types=[
            pltpu.VMEM((ROWS_PER_W,), jnp.int32),
            pltpu.VMEM((ROWS_PER_W, 128), jnp.float32),
            pltpu.SemaphoreType.DMA,
        ],
    )


def kernel(z_enc, W_proj, b_proj, codebook):
    z3 = z_enc.reshape(B, C_ENC, HW)
    zn, cb_pad = pl.pallas_call(
        _proj_body,
        grid=(B,),
        in_specs=[
            pl.BlockSpec((1, C_ENC, HW), lambda b: (b, 0, 0)),
            pl.BlockSpec((D, C_ENC), lambda b: (0, 0)),
            pl.BlockSpec((1, D), lambda b: (0, 0)),
            pl.BlockSpec((K, D), lambda b: (0, 0)),
        ],
        out_specs=[
            pl.BlockSpec((1, HW, D), lambda b: (b, 0, 0)),
            pl.BlockSpec((K, 128), lambda b: (0, 0)),
        ],
        out_shape=[
            jax.ShapeDtypeStruct((B, HW, D), jnp.float32),
            jax.ShapeDtypeStruct((K, 128), jnp.float32),
        ],
    )(z3, W_proj, b_proj.reshape(1, D), codebook)

    cb_n = codebook / (jnp.linalg.norm(codebook, axis=-1, keepdims=True) + EPS)
    sim = jnp.einsum('bnd,kd->bnk', zn.astype(jnp.bfloat16),
                     cb_n.astype(jnp.bfloat16),
                     preferred_element_type=jnp.float32)
    idx = jnp.argmax(sim, axis=-1)
    idx_pad = jnp.concatenate(
        [idx.reshape(-1), jnp.zeros((N_PAD - N_PIX,), jnp.int32)])
    quant_pad = _make_sc_gather()(cb_pad, idx_pad)
    quant3 = quant_pad[:N_PIX, :D].reshape(B, HW, D)

    qt, loss = pl.pallas_call(
        _loss_body,
        grid=(B,),
        in_specs=[
            pl.BlockSpec((1, HW, D), lambda b: (b, 0, 0)),
            pl.BlockSpec((1, HW, D), lambda b: (b, 0, 0)),
        ],
        out_specs=[
            pl.BlockSpec((1, D, HW), lambda b: (b, 0, 0)),
            pl.BlockSpec((1, 1), lambda b: (0, 0)),
        ],
        out_shape=[
            jax.ShapeDtypeStruct((B, D, HW), jnp.float32),
            jax.ShapeDtypeStruct((1, 1), jnp.float32),
        ],
    )(quant3, zn)

    quant_out = qt.reshape(B, D, H, W_SP)
    return quant_out, loss.reshape(()), idx

# --- scband reference (transcript-rebuilt; emitter-appended) ---
"""Pipeline reference for scband-vq-41077067219399 (READ-ONLY COPY).

The authoritative reference and input builder live on the scoring server;
editing this copy changes nothing except your own understanding.
"""

import jax, jax.numpy as jnp
import numpy as np

B, C_ENC, H, W = 32, 768, 14, 14
LATENT_DIM = 32
CODEBOOK_SIZE = 16384
COMMITMENT_WEIGHT = 1.0


def l2norm(x, eps=1e-12):
    return x / (jnp.linalg.norm(x, axis=-1, keepdims=True) + eps)


def setup_inputs(seed: int = 0) -> dict:
    key = jax.random.key(seed)
    k1, k2, k3 = jax.random.split(key, 3)
    z_enc = jax.random.normal(k1, (B, C_ENC, H, W), dtype=jnp.float32)
    # quant_proj: 1x1 Conv2d(enc_dim=768 -> latent_dim=32)
    W_proj = jax.random.normal(k2, (LATENT_DIM, C_ENC), dtype=jnp.float32) * 0.02
    b_proj = jnp.zeros((LATENT_DIM,), dtype=jnp.float32)
    # VectorQuantizerLucid codebook (cosine-sim / normalized codes)
    codebook = jax.random.normal(k3, (CODEBOOK_SIZE, LATENT_DIM), dtype=jnp.float32)
    return {"z_enc": z_enc, "W_proj": W_proj, "b_proj": b_proj, "codebook": codebook}


def reference(z_enc, W_proj, b_proj, codebook):
    b, c, h, w = z_enc.shape
    # quant_proj: 1x1 conv == per-pixel linear projection enc_dim -> latent_dim
    z = jnp.einsum('bchw,dc->bdhw', z_enc, W_proj) + b_proj[None, :, None, None]
    # flatten spatial dims: B, HW, D
    z_flat = jnp.transpose(z, (0, 2, 3, 1)).reshape(b, h * w, LATENT_DIM)
    # cosine-sim quantization (use_cosine_sim=True / norm_codes=True):
    # both latents and codebook entries live on the unit sphere
    z_n = l2norm(z_flat)
    cb_n = l2norm(codebook)
    sim = jnp.einsum('bnd,kd->bnk', z_n, cb_n)  # [B, HW, K]
    idx = jnp.argmax(sim, axis=-1)              # [B, HW] code indices
    quant = jnp.take(cb_n, idx, axis=0)         # [B, HW, D] gather codebook
    # commitment loss (norm_latents=False: compare normalized latents to hard codes)
    commit_loss = jnp.mean((z_n - jax.lax.stop_gradient(quant)) ** 2) * COMMITMENT_WEIGHT
    # straight-through estimator
    quant_st = z_n + jax.lax.stop_gradient(quant - z_n)
    quant_out = jnp.transpose(quant_st.reshape(b, h, w, LATENT_DIM), (0, 3, 1, 2))
    return quant_out, commit_loss, idx

if __name__ == "__main__":
    import jax
    _d = setup_inputs()
    print(jax.jit(kernel)(*tuple(_d.values())))

</pallas_src>

<mosaic_0001>
#map = affine_map<(d0, d1) -> (0, 0)>
#map1 = affine_map<(d0, d1) -> (0)>
module attributes {stable_mosaic.version = 14 : i64} {
  func.func @_sc_gather_body(%arg0: i32, %arg1: i32, %arg2: memref<16384x128xf32, #tpu.memory_space<hbm>>, %arg3: memref<6400xi32, #tpu.memory_space<hbm>>, %arg4: memref<6400x128xf32, #tpu.memory_space<hbm>>, %arg5: memref<200xi32, #tpu.memory_space<vmem>>, %arg6: memref<200x128xf32, #tpu.memory_space<vmem>>, %arg7: memref<!tpu.dma_semaphore, #tpu.memory_space<semaphore_mem>>) attributes {dimension_semantics = [#tpu.dimension_semantics<core_parallel>, #tpu.dimension_semantics<subcore_parallel>], iteration_bounds = array<i64: 2, 16>, scalar_prefetch = 0 : i64, scratch_operands = 3 : i64, tpu.core_type = #tpu.core_type<sc_vector_subcore>, window_params = [{transform_indices = #map}, {transform_indices = #map1}, {transform_indices = #map}]} {
    %mul3A = arith.constant 2 : i32
    %mul3A_0 = arith.muli %arg1, %mul3A : i32
    %add3A = arith.addi %mul3A_0, %arg0 : i32
    %mul3A_1 = arith.constant 200 : i32
    %mul3A_2 = arith.muli %add3A, %mul3A_1 : i32
    "tpu.region"() ({
      %run_scoped3A = tpu.sem_alloc : memref<!tpu.dma_semaphore, #tpu.memory_space<semaphore_mem>>
      %dma_start3A_33 = tpu.memref_slice %arg3[%mul3A_2] : memref<6400xi32, #tpu.memory_space<hbm>> -> memref<200xi32, #tpu.memory_space<hbm>>
      %dma_start3A_34 = tpu.memref_slice %arg3[%mul3A_2] : memref<6400xi32, #tpu.memory_space<hbm>> -> memref<200xi32, #tpu.memory_space<hbm>>
      tpu.enqueue_dma source(%dma_start3A_34 : memref<200xi32, #tpu.memory_space<hbm>>) target(%arg5 : memref<200xi32, #tpu.memory_space<vmem>>) target_semaphore(%run_scoped3A : memref<!tpu.dma_semaphore, #tpu.memory_space<semaphore_mem>>)
      %dma_wait3A_35 = tpu.memref_slice %arg3[%mul3A_2] : memref<6400xi32, #tpu.memory_space<hbm>> -> memref<200xi32, #tpu.memory_space<hbm>>
      %dma_wait3A_36 = tpu.memref_slice %arg3[%mul3A_2] : memref<6400xi32, #tpu.memory_space<hbm>> -> memref<200xi32, #tpu.memory_space<hbm>>
      tpu.wait_dma2 semaphore(%run_scoped3A : memref<!tpu.dma_semaphore, #tpu.memory_space<semaphore_mem>>) src(%dma_wait3A_36 : memref<200xi32, #tpu.memory_space<hbm>>) dst(%arg5 : memref<200xi32, #tpu.memory_space<vmem>>)
      tpu.yield
    }) : () -> ()
    %dma_start3A = arith.constant 0 : i32
    %dma_start3A_3 = arith.constant 0 : i32
    %dma_start3A_4 = tpu.memref_slice %arg6[%dma_start3A, %dma_start3A_3] : memref<200x128xf32, #tpu.memory_space<vmem>> -> memref<128x128xf32, #tpu.memory_space<vmem>>
    %dma_start3A_5 = arith.constant 0 : i32
    %dma_start3A_6 = tpu.memref_slice %arg5[%dma_start3A_5] : memref<200xi32, #tpu.memory_space<vmem>> -> memref<128xi32, #tpu.memory_space<vmem>>
    %dma_start3A_7 = arith.constant 0 : i32
    %dma_start3A_8 = arith.constant 0 : i32
    %dma_start3A_9 = tpu.memref_slice %arg2[%dma_start3A_7, %dma_start3A_8] : memref<16384x128xf32, #tpu.memory_space<hbm>> -> memref<16384x128xf32, #tpu.memory_space<hbm>>
    tpu.enqueue_indirect_dma source(%dma_start3A_9 : memref<16384x128xf32, #tpu.memory_space<hbm>>) target(%dma_start3A_4 : memref<128x128xf32, #tpu.memory_space<vmem>>) offsets(%dma_start3A_6 : memref<128xi32, #tpu.memory_space<vmem>>) semaphore(%arg7 : memref<!tpu.dma_semaphore, #tpu.memory_space<semaphore_mem>>)
    %dma_wait3A = arith.constant 0 : i32
    %dma_wait3A_10 = arith.constant 0 : i32
    %dma_wait3A_11 = tpu.memref_slice %arg6[%dma_wait3A, %dma_wait3A_10] : memref<200x128xf32, #tpu.memory_space<vmem>> -> memref<128x128xf32, #tpu.memory_space<vmem>>
    %dma_wait3A_12 = arith.constant 0 : i32
    %dma_wait3A_13 = tpu.memref_slice %arg5[%dma_wait3A_12] : memref<200xi32, #tpu.memory_space<vmem>> -> memref<128xi32, #tpu.memory_space<vmem>>
    %dma_wait3A_14 = arith.constant 0 : i32
    %dma_wait3A_15 = arith.constant 0 : i32
    %dma_wait3A_16 = tpu.memref_slice %arg2[%dma_wait3A_14, %dma_wait3A_15] : memref<16384x128xf32, #tpu.memory_space<hbm>> -> memref<16384x128xf32, #tpu.memory_space<hbm>>
    tpu.wait_indirect_dma semaphore(%arg7 : memref<!tpu.dma_semaphore, #tpu.memory_space<semaphore_mem>>) src(%dma_wait3A_16 : memref<16384x128xf32, #tpu.memory_space<hbm>>) dst(%dma_wait3A_11 : memref<128x128xf32, #tpu.memory_space<vmem>>)
    %dma_start3A_17 = arith.constant 128 : i32
    %dma_start3A_18 = arith.constant 0 : i32
    %dma_start3A_19 = tpu.memref_slice %arg6[%dma_start3A_17, %dma_start3A_18] : memref<200x128xf32, #tpu.memory_space<vmem>> -> memref<72x128xf32, #tpu.memory_space<vmem>>
    %dma_start3A_20 = arith.constant 128 : i32
    %dma_start3A_21 = tpu.memref_slice %arg5[%dma_start3A_20] : memref<200xi32, #tpu.memory_space<vmem>> -> memref<72xi32, #tpu.memory_space<vmem>>
    %dma_start3A_22 = arith.constant 0 : i32
    %dma_start3A_23 = arith.constant 0 : i32
    %dma_start3A_24 = tpu.memref_slice %arg2[%dma_start3A_22, %dma_start3A_23] : memref<16384x128xf32, #tpu.memory_space<hbm>> -> memref<16384x128xf32, #tpu.memory_space<hbm>>
    tpu.enqueue_indirect_dma source(%dma_start3A_24 : memref<16384x128xf32, #tpu.memory_space<hbm>>) target(%dma_start3A_19 : memref<72x128xf32, #tpu.memory_space<vmem>>) offsets(%dma_start3A_21 : memref<72xi32, #tpu.memory_space<vmem>>) semaphore(%arg7 : memref<!tpu.dma_semaphore, #tpu.memory_space<semaphore_mem>>)
    %dma_wait3A_25 = arith.constant 128 : i32
    %dma_wait3A_26 = arith.constant 0 : i32
    %dma_wait3A_27 = tpu.memref_slice %arg6[%dma_wait3A_25, %dma_wait3A_26] : memref<200x128xf32, #tpu.memory_space<vmem>> -> memref<72x128xf32, #tpu.memory_space<vmem>>
    %dma_wait3A_28 = arith.constant 128 : i32
    %dma_wait3A_29 = tpu.memref_slice %arg5[%dma_wait3A_28] : memref<200xi32, #tpu.memory_space<vmem>> -> memref<72xi32, #tpu.memory_space<vmem>>
    %dma_wait3A_30 = arith.constant 0 : i32
    %dma_wait3A_31 = arith.constant 0 : i32
    %dma_wait3A_32 = tpu.memref_slice %arg2[%dma_wait3A_30, %dma_wait3A_31] : memref<16384x128xf32, #tpu.memory_space<hbm>> -> memref<16384x128xf32, #tpu.memory_space<hbm>>
    tpu.wait_indirect_dma semaphore(%arg7 : memref<!tpu.dma_semaphore, #tpu.memory_space<semaphore_mem>>) src(%dma_wait3A_32 : memref<16384x128xf32, #tpu.memory_space<hbm>>) dst(%dma_wait3A_27 : memref<72x128xf32, #tpu.memory_space<vmem>>)
    "tpu.region"() ({
      %run_scoped3A = tpu.sem_alloc : memref<!tpu.dma_semaphore, #tpu.memory_space<semaphore_mem>>
      %dma_start3A_33 = arith.constant 0 : i32
      %dma_start3A_34 = tpu.memref_slice %arg4[%mul3A_2, %dma_start3A_33] : memref<6400x128xf32, #tpu.memory_space<hbm>> -> memref<200x128xf32, #tpu.memory_space<hbm>>
      %dma_start3A_35 = arith.constant 0 : i32
      %dma_start3A_36 = tpu.memref_slice %arg4[%mul3A_2, %dma_start3A_35] : memref<6400x128xf32, #tpu.memory_space<hbm>> -> memref<200x128xf32, #tpu.memory_space<hbm>>
      tpu.enqueue_dma source(%arg6 : memref<200x128xf32, #tpu.memory_space<vmem>>) target(%dma_start3A_36 : memref<200x128xf32, #tpu.memory_space<hbm>>) target_semaphore(%run_scoped3A : memref<!tpu.dma_semaphore, #tpu.memory_space<semaphore_mem>>)
      %dma_wait3A_37 = arith.constant 0 : i32
      %dma_wait3A_38 = tpu.memref_slice %arg4[%mul3A_2, %dma_wait3A_37] : memref<6400x128xf32, #tpu.memory_space<hbm>> -> memref<200x128xf32, #tpu.memory_space<hbm>>
      %dma_wait3A_39 = arith.constant 0 : i32
      %dma_wait3A_40 = tpu.memref_slice %arg4[%mul3A_2, %dma_wait3A_39] : memref<6400x128xf32, #tpu.memory_space<hbm>> -> memref<200x128xf32, #tpu.memory_space<hbm>>
      tpu.wait_dma2 semaphore(%run_scoped3A : memref<!tpu.dma_semaphore, #tpu.memory_space<semaphore_mem>>) src(%arg6 : memref<200x128xf32, #tpu.memory_space<vmem>>) dst(%dma_wait3A_40 : memref<200x128xf32, #tpu.memory_space<hbm>>)
      tpu.yield
    }) : () -> ()
    return
  }
}

module attributes {stable_mosaic.version = 14 : i64} {
  func.func @_proj_body(%arg0: i32, %arg1: memref<1x768x196xf32, #tpu.memory_space<vmem>>, %arg2: memref<32x768xf32, #tpu.memory_space<vmem>>, %arg3: memref<1x32xf32, #tpu.memory_space<vmem>>, %arg4: memref<16384x32xf32, #tpu.memory_space<vmem>>, %arg5: memref<1x196x32xf32, #tpu.memory_space<vmem>>, %arg6: memref<16384x128xf32, #tpu.memory_space<vmem>>) attributes {dimension_semantics = [#tpu.dimension_semantics<arbitrary>], iteration_bounds = array<i64: 32>, scalar_prefetch = 0 : i64, scratch_operands = 0 : i64, tpu.core_type = #tpu.core_type<tc>, window_params = [{transform_indices = @transform_0, window_bounds = array<i64: 1, 768, 196>}, {pipeline_mode = #tpu.pipeline_mode<synchronous>, transform_indices = @transform_1, window_bounds = array<i64: 32, 768>}, {pipeline_mode = #tpu.pipeline_mode<synchronous>, transform_indices = @transform_2, window_bounds = array<i64: 1, 32>}, {pipeline_mode = #tpu.pipeline_mode<synchronous>, transform_indices = @transform_3, window_bounds = array<i64: 16384, 32>}, {transform_indices = @transform_4, window_bounds = array<i64: 1, 196, 32>}, {pipeline_mode = #tpu.pipeline_mode<synchronous>, transform_indices = @transform_5, window_bounds = array<i64: 16384, 128>}]} {
    %get3A = arith.constant 0 : index
    %get3A_0 = arith.constant 0 : index
    %get3A_1 = arith.constant 0 : index
    %get3A_2 = vector.load %arg1[%get3A, %get3A_0, %get3A_1] : memref<1x768x196xf32, #tpu.memory_space<vmem>>, vector<1x768x196xf32>
    %get3A_3 = vector.shape_cast %get3A_2 : vector<1x768x196xf32> to vector<768x196xf32>
    %get3A_4 = arith.constant 0 : index
    %get3A_5 = arith.constant 0 : index
    %get3A_6 = vector.load %arg2[%get3A_4, %get3A_5] : memref<32x768xf32, #tpu.memory_space<vmem>>, vector<32x768xf32>
    %convert_element_type3A = arith.truncf %get3A_3 : vector<768x196xf32> to vector<768x196xbf16>
    %convert_element_type3A_7 = arith.truncf %get3A_6 : vector<32x768xf32> to vector<32x768xbf16>
    %dot_general3A = arith.constant dense<0.000000e+00> : vector<196x32xf32>
    %dot_general3A_8 = tpu.matmul %convert_element_type3A, %convert_element_type3A_7, %dot_general3A {dimension_numbers = #tpu.dot_dimension_numbers<[0], [1], [1], [0], [0, 1, 1, 0], [], []>, transpose_lhs_hint = false} : vector<768x196xbf16>, vector<32x768xbf16>, vector<196x32xf32> -> vector<196x32xf32>
    %get3A_9 = arith.constant 0 : index
    %get3A_10 = arith.constant 0 : index
    %get3A_11 = vector.load %arg3[%get3A_9, %get3A_10] : memref<1x32xf32, #tpu.memory_space<vmem>>, vector<1x32xf32>
    %add3A = vector.broadcast %get3A_11 : vector<1x32xf32> to vector<196x32xf32>
    %add3A_12 = arith.addf %dot_general3A_8, %add3A : vector<196x32xf32>
    %mul3A = arith.mulf %add3A_12, %add3A_12 : vector<196x32xf32>
    %reduce_sum3A = arith.constant dense<0.000000e+00> : vector<196xf32>
    %reduce_sum3A_13 = vector.multi_reduction <add>, %mul3A, %reduce_sum3A [1] : vector<196x32xf32> to vector<196xf32>
    %broadcast_in_dim3A = vector.shape_cast %reduce_sum3A_13 : vector<196xf32> to vector<196x1xf32>
    %sqrt3A = math.sqrt %broadcast_in_dim3A : vector<196x1xf32>
    %add3A_14 = arith.constant 9.99999996E-13 : f32
    %add3A_15 = vector.broadcast %add3A_14 : f32 to vector<196x1xf32>
    %add3A_16 = arith.addf %sqrt3A, %add3A_15 : vector<196x1xf32>
    %div3A = vector.broadcast %add3A_16 : vector<196x1xf32> to vector<196x32xf32>
    %div3A_17 = arith.divf %add3A_12, %div3A : vector<196x32xf32>
    %swap3A = arith.constant 0 : index
    %swap3A_18 = arith.constant 0 : index
    %swap3A_19 = arith.constant 0 : index
    %swap3A_20 = vector.load %arg5[%swap3A, %swap3A_18, %swap3A_19] : memref<1x196x32xf32, #tpu.memory_space<vmem>>, vector<1x196x32xf32>
    %swap3A_21 = vector.shape_cast %swap3A_20 : vector<1x196x32xf32> to vector<196x32xf32>
    %swap3A_22 = vector.shape_cast %div3A_17 : vector<196x32xf32> to vector<1x196x32xf32>
    tpu.vector_store %arg5[%swap3A, %swap3A_18, %swap3A_19], %swap3A_22 {strides = array<i32>} : memref<1x196x32xf32, #tpu.memory_space<vmem>>, vector<1x196x32xf32>,
    %eq3A = arith.constant 0 : i32
    %eq3A_23 = arith.cmpi eq, %arg0, %eq3A : i32
    %convert_element_type3A_24 = arith.extui %eq3A_23 : i1 to i32
    %cond3A = arith.constant 0 : i32
    %cond3A_25 = arith.cmpi ne, %convert_element_type3A_24, %cond3A : i32
    scf.if %cond3A_25 {
      %get3A_26 = arith.constant 0 : index
      %get3A_27 = arith.constant 0 : index
      %get3A_28 = vector.load %arg4[%get3A_26, %get3A_27] : memref<16384x32xf32, #tpu.memory_space<vmem>>, vector<16384x32xf32>
      %mul3A_29 = arith.mulf %get3A_28, %get3A_28 : vector<16384x32xf32>
      %reduce_sum3A_30 = arith.constant dense<0.000000e+00> : vector<16384xf32>
      %reduce_sum3A_31 = vector.multi_reduction <add>, %mul3A_29, %reduce_sum3A_30 [1] : vector<16384x32xf32> to vector<16384xf32>
      %broadcast_in_dim3A_32 = vector.shape_cast %reduce_sum3A_31 : vector<16384xf32> to vector<16384x1xf32>
      %sqrt3A_33 = math.sqrt %broadcast_in_dim3A_32 : vector<16384x1xf32>
      %add3A_34 = arith.constant 9.99999996E-13 : f32
      %add3A_35 = vector.broadcast %add3A_34 : f32 to vector<16384x1xf32>
      %add3A_36 = arith.addf %sqrt3A_33, %add3A_35 : vector<16384x1xf32>
      %div3A_37 = vector.broadcast %add3A_36 : vector<16384x1xf32> to vector<16384x32xf32>
      %div3A_38 = arith.divf %get3A_28, %div3A_37 : vector<16384x32xf32>
      %swap3A_39 = arith.constant 0 : index
      %swap3A_40 = arith.constant 0 : index
      %swap3A_41 = vector.load %arg6[%swap3A_39, %swap3A_40] : memref<16384x128xf32, #tpu.memory_space<vmem>>, vector<16384x32xf32>
      tpu.vector_store %arg6[%swap3A_39, %swap3A_40], %div3A_38 {strides = array<i32>} : memref<16384x128xf32, #tpu.memory_space<vmem>>, vector<16384x32xf32>,
      %broadcast_in_dim3A_42 = arith.constant 0.000000e+00 : f32
      %broadcast_in_dim3A_43 = vector.broadcast %broadcast_in_dim3A_42 : f32 to vector<16384x96xf32>
      %swap3A_44 = arith.constant 0 : index
      %swap3A_45 = arith.constant 32 : index
      %swap3A_46 = vector.load %arg6[%swap3A_44, %swap3A_45] : memref<16384x128xf32, #tpu.memory_space<vmem>>, vector<16384x96xf32>
      tpu.vector_store %arg6[%swap3A_44, %swap3A_45], %broadcast_in_dim3A_43 {strides = array<i32>} : memref<16384x128xf32, #tpu.memory_space<vmem>>, vector<16384x96xf32>,
    } else {
    }
    return
  }
  func.func @transform_0(%arg0: i32) -> (i32, i32, i32) {
    %c0_i32 = arith.constant 0 : i32
    %c0_i32_0 = arith.constant 0 : i32
    %c0_i32_1 = arith.constant 0 : i32
    return %arg0, %c0_i32, %c0_i32_0 : i32, i32, i32
  }
  func.func @transform_1(%arg0: i32) -> (i32, i32) {
    %c0_i32 = arith.constant 0 : i32
    %c0_i32_0 = arith.constant 0 : i32
    %c0_i32_1 = arith.constant 0 : i32
    return %c0_i32, %c0_i32_0 : i32, i32
  }
  func.func @transform_2(%arg0: i32) -> (i32, i32) {
    %c0_i32 = arith.constant 0 : i32
    %c0_i32_0 = arith.constant 0 : i32
    %c0_i32_1 = arith.constant 0 : i32
    return %c0_i32, %c0_i32_0 : i32, i32
  }
  func.func @transform_3(%arg0: i32) -> (i32, i32) {
    %c0_i32 = arith.constant 0 : i32
    %c0_i32_0 = arith.constant 0 : i32
    %c0_i32_1 = arith.constant 0 : i32
    return %c0_i32, %c0_i32_0 : i32, i32
  }
  func.func @transform_4(%arg0: i32) -> (i32, i32, i32) {
    %c0_i32 = arith.constant 0 : i32
    %c0_i32_0 = arith.constant 0 : i32
    %c0_i32_1 = arith.constant 0 : i32
    return %arg0, %c0_i32, %c0_i32_0 : i32, i32, i32
  }
  func.func @transform_5(%arg0: i32) -> (i32, i32) {
    %c0_i32 = arith.constant 0 : i32
    %c0_i32_0 = arith.constant 0 : i32
    %c0_i32_1 = arith.constant 0 : i32
    return %c0_i32, %c0_i32_0 : i32, i32
  }
}

module attributes {stable_mosaic.version = 14 : i64} {
  func.func @_loss_body(%arg0: i32, %arg1: memref<1x196x32xf32, #tpu.memory_space<vmem>>, %arg2: memref<1x196x32xf32, #tpu.memory_space<vmem>>, %arg3: memref<1x32x196xf32, #tpu.memory_space<vmem>>, %arg4: memref<1x1xf32, #tpu.memory_space<vmem>>) attributes {dimension_semantics = [#tpu.dimension_semantics<arbitrary>], iteration_bounds = array<i64: 32>, scalar_prefetch = 0 : i64, scratch_operands = 0 : i64, tpu.core_type = #tpu.core_type<tc>, window_params = [{transform_indices = @transform_0, window_bounds = array<i64: 1, 196, 32>}, {transform_indices = @transform_1, window_bounds = array<i64: 1, 196, 32>}, {transform_indices = @transform_2, window_bounds = array<i64: 1, 32, 196>}, {pipeline_mode = #tpu.pipeline_mode<synchronous>, transform_indices = @transform_3, window_bounds = array<i64: 1, 1>}]} {
    %get3A = arith.constant 0 : index
    %get3A_0 = arith.constant 0 : index
    %get3A_1 = arith.constant 0 : index
    %get3A_2 = vector.load %arg1[%get3A, %get3A_0, %get3A_1] : memref<1x196x32xf32, #tpu.memory_space<vmem>>, vector<1x196x32xf32>
    %get3A_3 = vector.shape_cast %get3A_2 : vector<1x196x32xf32> to vector<196x32xf32>
    %get3A_4 = arith.constant 0 : index
    %get3A_5 = arith.constant 0 : index
    %get3A_6 = arith.constant 0 : index
    %get3A_7 = vector.load %arg2[%get3A_4, %get3A_5, %get3A_6] : memref<1x196x32xf32, #tpu.memory_space<vmem>>, vector<1x196x32xf32>
    %get3A_8 = vector.shape_cast %get3A_7 : vector<1x196x32xf32> to vector<196x32xf32>
    %sub3A = arith.subf %get3A_8, %get3A_3 : vector<196x32xf32>
    %mul3A = arith.mulf %sub3A, %sub3A : vector<196x32xf32>
    %reduce_sum3A = vector.shape_cast %mul3A : vector<196x32xf32> to vector<1x196x32xf32>
    %reduce_sum3A_9 = arith.constant dense<0.000000e+00> : vector<1xf32>
    %reduce_sum3A_10 = vector.multi_reduction <add>, %reduce_sum3A, %reduce_sum3A_9 [1, 2] : vector<1x196x32xf32> to vector<1xf32>
    %reduce_sum3A_11 = vector.shape_cast %reduce_sum3A_10 : vector<1xf32> to vector<1x1x1xf32>
    %reduce_sum3A_12 = vector.extract %reduce_sum3A_11[0, 0, 0] : f32 from vector<1x1x1xf32>
    %reshape3A = vector.broadcast %reduce_sum3A_12 : f32 to vector<1x1xf32>
    %eq3A = arith.constant 0 : i32
    %eq3A_13 = arith.cmpi eq, %arg0, %eq3A : i32
    %get3A_14 = arith.constant 0 : index
    %get3A_15 = arith.constant 0 : index
    %get3A_16 = vector.load %arg4[%get3A_14, %get3A_15] : memref<1x1xf32, #tpu.memory_space<vmem>>, vector<1x1xf32>
    %add3A = arith.addf %get3A_16, %reshape3A : vector<1x1xf32>
    %select_n3A = arith.select %eq3A_13, %reshape3A, %add3A : vector<1x1xf32>
    %eq3A_17 = arith.constant 31 : i32
    %eq3A_18 = arith.cmpi eq, %arg0, %eq3A_17 : i32
    %mul3A_19 = arith.constant 4.98246163E-6 : f32
    %mul3A_20 = vector.broadcast %mul3A_19 : f32 to vector<1x1xf32>
    %mul3A_21 = arith.mulf %select_n3A, %mul3A_20 : vector<1x1xf32>
    %select_n3A_22 = arith.select %eq3A_18, %mul3A_21, %select_n3A : vector<1x1xf32>
    %swap3A = arith.constant 0 : index
    %swap3A_23 = arith.constant 0 : index
    %swap3A_24 = vector.load %arg4[%swap3A, %swap3A_23] : memref<1x1xf32, #tpu.memory_space<vmem>>, vector<1x1xf32>
    tpu.vector_store %arg4[%swap3A, %swap3A_23], %select_n3A_22 {strides = array<i32>} : memref<1x1xf32, #tpu.memory_space<vmem>>, vector<1x1xf32>,
    %transpose3A = tpu.transpose %get3A_3, [1, 0] : vector<196x32xf32> -> vector<32x196xf32>
    %swap3A_25 = arith.constant 0 : index
    %swap3A_26 = arith.constant 0 : index
    %swap3A_27 = arith.constant 0 : index
    %swap3A_28 = vector.load %arg3[%swap3A_25, %swap3A_26, %swap3A_27] : memref<1x32x196xf32, #tpu.memory_space<vmem>>, vector<1x32x196xf32>
    %swap3A_29 = vector.shape_cast %swap3A_28 : vector<1x32x196xf32> to vector<32x196xf32>
    %swap3A_30 = vector.shape_cast %transpose3A : vector<32x196xf32> to vector<1x32x196xf32>
    tpu.vector_store %arg3[%swap3A_25, %swap3A_26, %swap3A_27], %swap3A_30 {strides = array<i32>} : memref<1x32x196xf32, #tpu.memory_space<vmem>>, vector<1x32x196xf32>,
    return
  }
  func.func @transform_0(%arg0: i32) -> (i32, i32, i32) {
    %c0_i32 = arith.constant 0 : i32
    %c0_i32_0 = arith.constant 0 : i32
    %c0_i32_1 = arith.constant 0 : i32
    return %arg0, %c0_i32, %c0_i32_0 : i32, i32, i32
  }
  func.func @transform_1(%arg0: i32) -> (i32, i32, i32) {
    %c0_i32 = arith.constant 0 : i32
    %c0_i32_0 = arith.constant 0 : i32
    %c0_i32_1 = arith.constant 0 : i32
    return %arg0, %c0_i32, %c0_i32_0 : i32, i32, i32
  }
  func.func @transform_2(%arg0: i32) -> (i32, i32, i32) {
    %c0_i32 = arith.constant 0 : i32
    %c0_i32_0 = arith.constant 0 : i32
    %c0_i32_1 = arith.constant 0 : i32
    return %arg0, %c0_i32, %c0_i32_0 : i32, i32, i32
  }
  func.func @transform_3(%arg0: i32) -> (i32, i32) {
    %c0_i32 = arith.constant 0 : i32
    %c0_i32_0 = arith.constant 0 : i32
    %c0_i32_1 = arith.constant 0 : i32
    return %c0_i32, %c0_i32_0 : i32, i32
  }
}

</mosaic_0001>

<sc_bundles>
// kernel: kernel.5.cloned.1.call-start
scs
__scs_entry_jumppad:
0x0: {  	(pc) =	sbr.rel $0x88, $3  }
0x1: {  	(tag) =	ssettag $0x0;
	lr =	simm.s32 $0x1  }
0x2: {  	[smem:$0x3F9D] =	sst lr;
	_ =	strace $0xD0000000  }
0x3: {  	_ = 	snop  }
0x4: {  	_ = 	snop  }
0x5: {  	_ = 	snop  }
0x6: {  	_ = 	snop  }
0x7: {  	_ = 	snop  }
__scs_overlays_trampoline_lowered:
0x8: {  	[smem:$0x3FAC] =	sst s0  }
0x9: {  	[smem:$0x3FAD] =	sst s1  }
0xa: {  	[smem:$0x3FAE] =	sst s2  }
0xb: {  	[smem:$0x3FAF] =	sst s3  }
0xc: {  	[smem:$0x3FB0] =	sst s4  }
0xd: {  	[smem:$0x3FB1] =	sst s5  }
0xe: {  	[smem:$0x3FB2] =	sst s6  }
0xf: {  	[smem:$0x3FB3] =	sst s7  }
0x10: {  	[smem:$0x3FB4] =	sst s8  }
0x11: {  	[smem:$0x3FB5] =	sst s9;
	s0 =	simm.s32 @!p0 $0x0  }
0x12: {  	s1 =	sld [smem:$0x3F9B];
	s0 =	simm.s32 @p0 $0x1  }
0x13: {  	[smem:$0x3FB6] =	sst s0;
	s0 =	simm.s32 @!p1 $0x0  }
0x14: {  	s2 =	sld [smem:$0x3F9A];
	s0 =	simm.s32 @p1 $0x1  }
0x15: {  	[smem:$0x3FB7] =	sst s0;
	s0 =	simm.s32 @!p2 $0x0  }
0x16: {  	s3 =	sld [smem:$0x3FDB];
	s0 =	simm.s32 @p2 $0x1  }
0x17: {  	s4 =	simm.s32 $0x1BF5;
	[smem:$0x3FB9] =	sst s0  }
0x18: {  	s0 =	sld [smem:$0x3F9C];
	_ =	swait.ge [sflag:s4], $0x0  }
0x19: {  	s7 =	sld [smem:$0x3F9D]  }
0x1a: {  	s8 =	sadd.s32 $0xFFFFE003, lr  }
0x1b: {  	s9 =	sadd.s32 $0xFFFFFEF7, lr;
	s5 =	simm.s32 $0xFFFFFFFF;
	p2 =	slt.u32 s8, $0xFFFFF086  }
0x1c: {  	p1 =	slt.u32 s9, $0xF7A;
	s5 =	simm.s32 @!p2 $0x0  }
0x1d: {  	s5 =	simm.s32 @p1 $0x1;
	p0 =	seq.s32 s7, s2  }
0x1e: {  	s7 =	smul.u32 @!p0 $0xF7A, s2;
	p2 =	seq.s32 @!p0 s5, $0x0  }
0x1f: {  	s9 =	smul.u32 $0xF7A, s1;
	s8 =	simm.s32 @!p0 $0x1BF5;
	p2 =	por !p2, p0  }
0x20: {  	[sflag:s8] =	ssyncset.s32 @!p0 $0xFFFFF086;
	s6 =	sadd.s32 @!p0 s3, s7;
	s7 =	simm.s32 @!p0 $0x108  }
0x21: {  	s3 =	sadd.s32 s3, s9;
	s6 =	sadd.s32 @!p0 $0x88, s6;
	s7 =	simm.s32 @p2 $0x1082  }
0x22: {  	[simem:s7], [sflag:s8] =	dma.local @!p0 [hbm:s6], $0xF7A  }
0x23: {  	s9 =	sor.u32 $0xD0000000, s2;
	s6 =	simm.s32 $0x108;
	_ =	swait.ge @!p0 [sflag:s8], $0x0  }
0x24: {  	s3 =	sadd.s32 $0x88, s3;
	s6 =	simm.s32 @!p1 $0x1082;
	[sflag:s4] =	ssyncset.s32 $0xFFFFF086  }
0x25: {  	[simem:s6], [sflag:s4] =	dma.local [hbm:s3], $0xF7A  }
0x26: {  	[smem:$0x3F9D] =	sst s1;
	(tag) =	ssettag s2;
	_ =	strace s9  }
0x27: {  	s1 =	sld [smem:$0x3FAD]  }
0x28: {  	s2 =	sld [smem:$0x3FAE]  }
0x29: {  	s4 =	sld [smem:$0x3FB0]  }
0x2a: {  	p0 =	seq.s32 s5, $0x0;
	s5 =	sld [smem:$0x3FB1]  }
0x2b: {  	s6 =	sld [smem:$0x3FB2]  }
0x2c: {  	s7 =	sld [smem:$0x3FB3]  }
0x2d: {  	s3 =	simm.s32 $0x108;
	s8 =	sld [smem:$0x3FB4]  }
0x2e: {  	s3 =	simm.s32 @!p0 $0x1082;
	s9 =	sld [smem:$0x3FB5]  }
0x2f: {  	lr =	sadd.s32 s0, s3;
	s0 =	sld [smem:$0x3FAC]  }
0x30: {  	s3 =	sld [smem:$0x3FAF]  }
0x31: {  	[smem:$0x3FB8] =	sst s10  }
0x32: {  	s10 =	sld [smem:$0x3FB6];
	_ =	sdelay $0x3  }
0x33: {  	p0 =	seq.s32 s10, $0x1;
	s10 =	sld [smem:$0x3FB8];
	_ =	sdelay $0x3  }
0x34: {  	[smem:$0x3FB8] =	sst s10  }
0x35: {  	s10 =	sld [smem:$0x3FB7];
	_ =	sdelay $0x3  }
0x36: {  	p1 =	seq.s32 s10, $0x1;
	s10 =	sld [smem:$0x3FB8];
	_ =	sdelay $0x3  }
0x37: {  	[smem:$0x3FB8] =	sst s10  }
0x38: {  	s10 =	sld [smem:$0x3FB9]  }
0x39: {  	_ = 	snop;
	(pc) =	sbr.ind lr, $3  }
0x3a: {  	_ = 	snop  }
0x3b: {  	_ = 	snop  }
0x3c: {  	p2 =	seq.s32 s10, $0x1;
	s10 =	sld [smem:$0x3FB8]  }
0x3d: {  	_ =	shalt  }
0x3e: {  	_ =	shalt  }
0x3f: {  	_ =	shalt  }
0x40: {  	_ =	shalt  }
0x41: {  	_ =	shalt  }
0x42: {  	_ =	shalt  }
0x43: {  	_ =	shalt  }
0x44: {  	_ =	shalt  }
0x45: {  	_ =	shalt  }
0x46: {  	_ =	shalt  }
0x47: {  	_ =	shalt  }
0x48: {  	_ =	shalt  }
0x49: {  	_ =	shalt  }
0x4a: {  	_ =	shalt  }
0x4b: {  	_ =	shalt  }
0x4c: {  	_ =	shalt  }
0x4d: {  	_ =	shalt  }
0x4e: {  	_ =	shalt  }
0x4f: {  	_ =	shalt  }
0x50: {  	_ =	shalt  }
0x51: {  	_ =	shalt  }
0x52: {  	_ =	shalt  }
0x53: {  	_ =	shalt  }
0x54: {  	_ =	shalt  }
0x55: {  	_ =	shalt  }
0x56: {  	_ =	shalt  }
0x57: {  	_ =	shalt  }
0x58: {  	_ =	shalt  }
0x59: {  	_ =	shalt  }
0x5a: {  	_ =	shalt  }
0x5b: {  	_ =	shalt  }
0x5c: {  	_ =	shalt  }
0x5d: {  	_ =	shalt  }
0x5e: {  	_ =	shalt  }
0x5f: {  	_ =	shalt  }
0x60: {  	_ =	shalt  }
0x61: {  	_ =	shalt  }
0x62: {  	_ =	shalt  }
0x63: {  	_ =	shalt  }
0x64: {  	_ =	shalt  }
0x65: {  	_ =	shalt  }
0x66: {  	_ =	shalt  }
0x67: {  	_ =	shalt  }
0x68: {  	_ =	shalt  }
0x69: {  	_ =	shalt  }
0x6a: {  	_ =	shalt  }
0x6b: {  	_ =	shalt  }
0x6c: {  	_ =	shalt  }
0x6d: {  	_ =	shalt  }
0x6e: {  	_ =	shalt  }
0x6f: {  	_ =	shalt  }
0x70: {  	_ =	shalt  }
0x71: {  	_ =	shalt  }
0x72: {  	_ =	shalt  }
0x73: {  	_ =	shalt  }
0x74: {  	_ =	shalt  }
0x75: {  	_ =	shalt  }
0x76: {  	_ =	shalt  }
0x77: {  	_ =	shalt  }
0x78: {  	_ =	shalt  }
0x79: {  	_ =	shalt  }
0x7a: {  	_ =	shalt  }
0x7b: {  	_ =	shalt  }
0x7c: {  	_ =	shalt  }
0x7d: {  	_ =	shalt  }
0x7e: {  	_ =	shalt  }
0x7f: {  	_ =	shalt  }
0x80: {  	_ =	shalt  }
0x81: {  	_ =	shalt  }
0x82: {  	_ =	shalt  }
0x83: {  	_ =	shalt  }
0x84: {  	_ =	shalt  }
0x85: {  	_ =	shalt  }
0x86: {  	_ =	shalt  }
0x87: {  	_ =	shalt  }
.Lfunc_end0:
.L_simem_size_0:
called_computation_lowered:
.L_overlay_start_0:
0x88: {  	s2 =	sld [smem:$0x3FD9]  }
0x89: {  	s3 =	sld [smem:$0x3FFE];
	_ =	sdelay $0x1  }
0x8a: {  	s1 =	srdreg.scid  }
0x8b: {  	s0 =	sand.u32 $0x1, s1  }
0x8c: {  	s14 =	sshll.u32 s0, $0xA;
	s2 =	sadd.s32 s3, s2  }
0x8d: {  	s2 =	sadd.s32 s2, s14  }
0x8e: {  	[smem:$0x3FC4] =	sst s2  }
0x8f: {  	_ = 	snop  }
0x90: {  	s2 =	sld [smem:$0x3FD0];
	_ =	sdelay $0x2  }
0x91: {  	s15 =	simm.s32 $0xA;
	s4 =	simm.s32 $0x10  }
0x92: {  	[smem:s4], [sflag:s15] =	dma.local [hbm:s2], $0x1  }
0x93: {  	_ =	swait.eq [sflag:s15], $0x1  }
0x94: {  	[sflag:s15] =	ssyncset.done $0x0  }
0x95: {  	[sflag:s15] =	ssyncadd.s32 $0xFFFFFFFF  }
0x96: {  	s16 =	sld [smem:$0x10];
	(tm) =	ssettm $0x1  }
0x97: {  	s17 =	sld [smem:$0x3FFB];
	_ =	sdelay $0x3  }
0x98: {  	_ =	strace s17  }
0x99: {  	s3 =	sld [smem:$0x3FFC];
	_ =	sdelay $0x3  }
0x9a: {  	_ =	strace s3  }
0x9b: {  	s3 =	sld [smem:$0x3FFD];
	_ =	sdelay $0x3  }
0x9c: {  	_ =	strace s3  }
0x9d: {  	_ =	strace $0x8FFFFFFF  }
0x9e: {  	s18 =	sld [smem:$0x3FDB];
	_ =	sdelay $0x1  }
0x9f: {  	s19 =	simm.s32 $_scs_section_size  }
0xa0: {  	s5 =	simm.s32 $_size__tile_overlayer_lowered;
	s6 =	simm.s32 $_tile_overlayer_lowered  }
0xa1: {  	s22 =	simm.s32 $0x1BFF;
	s21 =	sshll.u32 s6, $0x1;
	s3 =	sadd.s32 s19, s18  }
0xa2: {  	s7 =	simm.s32 $0x0;
	s20 =	sshll.u32 s5, $0x1;
	s5 =	sadd.s32 s21, s3  }
0xa3: {  	[timem:s7], [sflag:s22] =	dma.local [hbm:s5], s20  }
0xa4: {  	_ =	swait.ge [sflag:s22], s20  }
0xa5: {  	s4 =	ssub.s32 $0x0, s20;
	[sflag:s22] =	ssyncset.done $0x0  }
0xa6: {  	[sflag:s22] =	ssyncadd.s32 s4;
	_ =	sdelay $0x1  }
0xa7: {  	s23 =	simm.s32 $0x1B8B  }
0xa8: {  	_ =	swait.ge [sflag:s23], $0x1  }
0xa9: {  	[sflag:s23] =	ssyncset.done $0x0  }
0xaa: {  	s25 =	simm.s32 $0x1B8E;
	s24 =	sld [smem:$0x3FFE];
	[sflag:s23] =	ssyncadd.s32 $0xFFFFFFFF  }
0xab: {  	s26 =	simm.s32 $execute0_lowered;
	[smem:$0x3FD2] =	sst s25  }
0xac: {  	s5 =	sshll.u32 s26, $0x1;
	_ =	strace $0x80000046;
	[dreg:$0x1] =	wrdreg $0xFFFFFFFF  }
0xad: {  	s28 =	simm.s32 $_size_execute0_lowered;
	s3 =	sadd.s32 s3, s5;
	[dreg:$0x0] =	wrdreg $0x0  }
0xae: {  	s5 =	sshll.u32 s28, $0x1;
	[dreg:$0x2] =	wrdreg s3  }
0xaf: {  	[dreg:$0x3] =	wrdreg s5  }
0xb0: {  	[dreg:$0x4] =	wrdreg $0xC0  }
0xb1: {  	_ =	task [dreg:s7], $0x5FFFF  }
0xb2: {  	[dreg:$0x1] =	wrdreg $0xFFFFFFFF  }
0xb3: {  	[dreg:$0x0] =	wrdreg $0x60  }
0xb4: {  	[dreg:$0x2] =	wrdreg s24  }
0xb5: {  	[dreg:$0x3] =	wrdreg s16  }
0xb6: {  	[dreg:$0x4] =	wrdreg $0x9  }
0xb7: {  	_ =	task.clear_ibuf [dreg:s7], $0x5FFFF;
	_ =	strace $0x90000046  }
0xb8: {  	s29 =	simm.s32 $0x9;
	_ =	strace $0x80000048  }
0xb9: {  	_ =	swait.ge [sflag:s29], $0x1  }
0xba: {  	[sflag:s29] =	ssyncadd.s32 $0xFFFFFFFF  }
0xbb: {  	_ =	strace $0x90000048  }
0xbc: {  	_ =	sfence  }
0xbd: {  	s30 =	sld [smem:$0x0];
	_ =	sdelay $0x2  }
0xbe: {  	s31 =	sshll.u32 s1, $0xD;
	s1 =	sshrl.u32 s1, $0x2  }
0xbf: {  	s3 =	sand.u32 $0x4000, s31;
	s1 =	sadd.s32 s1, s30  }
0xc0: {  	s0 =	sor.u32 s3, s0;
	s1 =	sshll.u32 s1, $0x11  }
0xc1: {  	s0 =	sor.u32 s1, s0  }
0xc2: {  	s0 =	sadd.s32 $0x8F2B, s0  }
0xc3: {  	[sflag:s0] =	ssyncadd.remote.s32 $0x1  }
0xc4: {  	_ =	sfence.sel $0xFFFF  }
0xc5: {  	[dreg:$0x0] =	wrdreg $0xFFFFFFFF;
	(pc) =	sbr.abs _section_cstart, $3  }
0xc6: {  	[dreg:$0x1] =	wrdreg $0xFFFFFFFF  }
0xc7: {  	_ =	task.clear_ibuf [dreg:s7], $0x2FFFF;
	_ =	strace $0x9FFFFFFF  }
0xc8: {  	(tm) =	ssettm $0x7FFFFFFF  }
0xc9: {  	_ =	shalt  }
tec
execute0_lowered:
.L_overlay_start_1:
0x0: {  	(tag) =	ssettag $0x1  }
0x1: {  	s1 =	srdreg.scid;
	s0 =	stileid.u32  }
0x2: {  	s2 =	rddreg [dreg:$0x0];
	s9 =	sand.u32 $0x1, s1;
	s31 =	sshll.u32 s0, $0x1  }
0x3: {  	s4 =	rddreg [dreg:$0x1];
	s10 =	sor.u32 s9, s31  }
0x4: {  	s3 =	simm.s32 $0x0;
	s1 =	rddreg [dreg:$0x2];
	s5 =	smul.u32 $0x19, s10  }
0x5: {  	[smem:$0x7FF] =	sst s3  }
0x6: {  	_ =	strace $0x80000047;
	s5 =	sadd.s32 s4, s5;
	s4 =	simm.s32 $0x2  }
0x7: {  	[tilespmem:s3], [sflag:$0x2] =	stream.linear.gather [hbm4b:s5+s3], $0xC8, $0x38;
	[tilespmem:$0x6500] =	vst v63  }
0x8: {  	_ =	swait.ge [sflag:s4], $0xC8  }
0x9: {  	s6 =	simm.s32 $0x80;
	s7 =	simm.s32 $0x100;
	[sflag:s4] =	ssyncset.done $0x0  }
0xa: {  	s8 =	simm.s32 $0x1;
	s12 =	ssub.s32 $0x2, s9;
	[sflag:s4] =	ssyncadd.s32 $0xFFFFFF38  }
0xb: {  	[tilespmem:s7], [sflag:$0x1] =	stream.indirect.gather [hbm4b:s2+s6], $0x80, s3, s6, $0xb8;
	[tilespmem:$0x6500] =	vst v63  }
0xc: {  	s9 =	simm.s32 $0x48;
	s13 =	sshrl.u32 s12, $0x1;
	_ =	swait.ge [sflag:s8], $0x4000  }
0xd: {  	s11 =	smul.u32 $0xC80, s10;
	s12 =	ssub.s32 s12, s13;
	[sflag:s8] =	ssyncset.done $0x0  }
0xe: {  	s10 =	simm.s32 $0x4100;
	s12 =	smax.u32 s12, $0x1;
	[sflag:s8] =	ssyncadd.s32 $0xFFFFC000  }
0xf: {  	[tilespmem:s10], [sflag:$0x1] =	stream.indirect.gather [hbm4b:s2+s9], $0x80, s6, s9, $0xb8;
	[tilespmem:$0x6500] =	vst v63  }
0x10: {  	p0 =	sne.s32 s12, $0x1;
	_ =	swait.ge [sflag:s8], $0x2400  }
.Ltmp0:
0x11: {  	s11 =	sadd.s32 s11, s2;
	[sflag:s8] =	ssyncset.done $0x0;
	(pc) =	sbr.rel @!p0 .LBB2_2-.Ltmp0, $4  }
0x12: {  	s11 =	sadd.s32 $0x40000, s11;
	[sflag:s8] =	ssyncadd.s32 $0xFFFFDC00  }
0x13: {  	[hbm4b:s11+s3] =	stream.linear.scatter [tilespmem:s7], [sflag:$0x2], $0x6400, $0x38;
	[tilespmem:$0x6500] =	vst v63  }
0x14: {  	_ =	swait.ge [sflag:s4], $0x6400  }
0x15: {  	s12 =	sadd.s32 $0xFFFFFFFF, s12;
	[sflag:s4] =	ssyncset.done $0x0  }
.LBB2_1:
0x16: {  	p0 =	sne.s32 s12, $0x1;
	s12 =	sadd.s32 $0xFFFFFFFF, s12;
	[sflag:s4] =	ssyncadd.s32 $0xFFFF9C00  }
0x17: {  	[tilespmem:s3], [sflag:$0x2] =	stream.linear.gather [hbm4b:s5+s3], $0xC8, $0x38;
	[tilespmem:$0x6500] =	vst v63  }
0x18: {  	_ =	swait.ge [sflag:s4], $0xC8  }
0x19: {  	[sflag:s4] =	ssyncset.done $0x0  }
0x1a: {  	[sflag:s4] =	ssyncadd.s32 $0xFFFFFF38  }
0x1b: {  	[tilespmem:s7], [sflag:$0x1] =	stream.indirect.gather [hbm4b:s2+s6], $0x80, s3, s6, $0xb8;
	[tilespmem:$0x6500] =	vst v63  }
0x1c: {  	_ =	swait.ge [sflag:s8], $0x4000  }
0x1d: {  	[sflag:s8] =	ssyncset.done $0x0  }
0x1e: {  	[sflag:s8] =	ssyncadd.s32 $0xFFFFC000  }
0x1f: {  	[tilespmem:s10], [sflag:$0x1] =	stream.indirect.gather [hbm4b:s2+s9], $0x80, s6, s9, $0xb8;
	[tilespmem:$0x6500] =	vst v63  }
0x20: {  	_ =	swait.ge [sflag:s8], $0x2400  }
.Ltmp1:
0x21: {  	[sflag:s8] =	ssyncset.done $0x0;
	(pc) =	sbr.rel @p0 .LBB2_1-.Ltmp1, $4  }
0x22: {  	[sflag:s8] =	ssyncadd.s32 $0xFFFFDC00  }
0x23: {  	[hbm4b:s11+s3] =	stream.linear.scatter [tilespmem:s7], [sflag:$0x2], $0x6400, $0x38;
	[tilespmem:$0x6500] =	vst v63  }
0x24: {  	_ =	swait.ge [sflag:s4], $0x6400  }
0x25: {  	[sflag:s4] =	ssyncset.done $0x0  }
.LBB2_2:
0x26: {  	[sflag:s4] =	ssyncadd.s32 $0xFFFF9C00  }
0x27: {  	_ =	sfence.sel $0x180000  }
0x28: {  	[bflag:$0x0] =	sbarrier.arrive $0xFFFF  }
0x29: {  	p0 =	sne.s32 s0, $0x0;
	_ =	strace $0x90000047  }
0x2a: {  	s0 =	sadd.s32 @!p0 $0x100000, s1;
	[bflag:$0x2] =	sbarrier.arrive $0xFFFF  }
0x2b: {  	[sflag:s0] =	ssyncadd.tile.s32 @!p0 $0x1;
	_ =	shalt  }
.Lfunc_end2:
_tile_overlayer_lowered:
.L_overlay_start_2:
0x2c: {  	(tag) =	ssettag $0x2  }
0x2d: {  	s0 =	rddreg [dreg:$0x0];
	s2 =	stileid.u32  }
0x2e: {  	s1 =	rddreg [dreg:$0x1];
	p0 =	sne.s32 s2, $0x0  }
0x2f: {  	s3 =	rddreg [dreg:$0x2];
	[bflag:$0x3] =	sbarrier.arrive $0xFFFF;
	s2 =	simm.s32 @!p0 $0x1C02  }
0x30: {  	[timem:s3], [sflag:s2] =	dma.local @!p0 [hbm:s0], s1  }
0x31: {  	s0 =	simm.s32 @!p0 $0x2  }
0x32: {  	_ =	swait.ge @!p0 [sflag:s0], s1  }
0x33: {  	s1 =	ssub.s32 @!p0 $0x0, s1;
	[sflag:s0] =	ssyncset.done @!p0 $0x0  }
0x34: {  	[sflag:s0] =	ssyncadd.s32 @!p0 s1  }
0x35: {  	[bflag:$0x3] =	sbarrier.arrive $0xFFFF  }
0x36: {  	_ =	shalt  }

</sc_bundles>
